<compile_context>
chip_gen: v7x
topology: tpu7x:2x2x1
jax: 0.10.2.dev20260603
libtpu: 0.0.44.dev20260713+nightly
codegen_flags: <defaults>
</compile_context>

<pallas_src>
import functools

import jax
import jax.numpy as jnp
from jax import lax
from jax.experimental import pallas as pl
from jax.experimental.pallas import tpu as pltpu
from jax.experimental.pallas import tpu_sc as plsc

_D = 128
_HALF = _D // 2
_TPAD = 1024
_NC, _NS = 2, 16
_NW = _NC * _NS
_C = 128


def _table_body(row_ref, col_ref, out_ref):
    t = lax.broadcasted_iota(jnp.int32, (_TPAD, 32), 0)
    k = lax.broadcasted_iota(jnp.int32, (_TPAD, 32), 1)
    r = jnp.clip(t // 30, 0, 29)
    c = t - 30 * (t // 30)
    oh_r = (r == k).astype(jnp.float32)
    oh_c = (c == k).astype(jnp.float32)
    row_emb = jnp.dot(oh_r, row_ref[...], preferred_element_type=jnp.float32,
                      precision=lax.Precision.HIGHEST)
    col_emb = jnp.dot(oh_c, col_ref[...], preferred_element_type=jnp.float32,
                      precision=lax.Precision.HIGHEST)
    out_ref[...] = jnp.concatenate([row_emb, col_emb], axis=-1)


_build_table = pl.pallas_call(
    _table_body,
    out_shape=jax.ShapeDtypeStruct((_TPAD, _D), jnp.float32),
)


@functools.lru_cache(maxsize=None)
def _make_gather(B):
    npw = B // (_NW * _C)
    mesh = plsc.VectorSubcoreMesh(core_axis_name="c", subcore_axis_name="s")

    @functools.partial(
        pl.kernel,
        mesh=mesh,
        out_type=jax.ShapeDtypeStruct((B, _D), jnp.float32),
        scratch_types=[
            pltpu.VMEM((npw, _C), jnp.int32),
            pltpu.VMEM((4 * _C, _D), jnp.float32),
            pltpu.VMEM_SHARED((_TPAD, _D), jnp.float32),
            pltpu.SemaphoreType.DMA,
            pltpu.SemaphoreType.DMA,
            pltpu.SemaphoreType.DMA,
            pltpu.SemaphoreType.DMA,
            pltpu.SemaphoreType.DMA,
            pltpu.SemaphoreType.DMA,
        ],
    )
    def gather(table_hbm, idx_hbm, out_hbm, idx_v, rows, table_sh,
               g0, g1, g2, g3, s0, s1):
        gsem = (g0, g1, g2, g3)
        ssem = (s0, s1)
        wid = lax.axis_index("s") * _NC + lax.axis_index("c")
        base = wid * (npw * _C)

        @pl.when(lax.axis_index("s") == 0)
        def _():
            pltpu.sync_copy(table_hbm, table_sh)

        pltpu.sync_copy(idx_hbm.at[wid], idx_v)
        plsc.subcore_barrier()

        def g_start(c, b):
            pltpu.make_async_copy(
                table_sh.at[idx_v.at[c]],
                rows.at[pl.ds(b * _C, _C)], gsem[b]).start()

        def g_wait(b):
            pltpu.make_async_copy(
                table_sh.at[idx_v.at[0]],
                rows.at[pl.ds(b * _C, _C)], gsem[b]).wait()

        def st_start(c0, h):
            pltpu.make_async_copy(
                rows.at[pl.ds(h * 2 * _C, 2 * _C)],
                out_hbm.at[pl.ds(base + c0 * _C, 2 * _C)], ssem[h]).start()

        def st_wait(h):
            pltpu.make_async_copy(
                rows.at[pl.ds(h * 2 * _C, 2 * _C)],
                out_hbm.at[pl.ds(base, 2 * _C)], ssem[h]).wait()

        for b in range(4):
            g_start(b, b)

        def step(c0, refill):
            for h in range(2):
                g_wait(2 * h)
                g_wait(2 * h + 1)
                st_start(c0 + 2 * h, h)
            if refill:
                for h in range(2):
                    st_wait(h)
                    g_start(c0 + 4 + 2 * h, 2 * h)
                    g_start(c0 + 5 + 2 * h, 2 * h + 1)

        def body(ii, carry):
            step(ii * 4, True)
            return carry

        lax.fori_loop(0, npw // 4 - 1, body, 0)
        step(npw - 4, False)
        for h in range(2):
            st_wait(h)

    return gather


def kernel(positions, row_table, col_table):
    s0, s1 = positions.shape
    b = s0 * s1
    row_p = jnp.pad(row_table.astype(jnp.float32), ((0, 2), (0, 0)))
    col_p = jnp.pad(col_table.astype(jnp.float32), ((0, 2), (0, 0)))
    table = _build_table(row_p, col_p)
    idx = positions.astype(jnp.int32).reshape(_NW, b // (_NW * _C), _C)
    out = _make_gather(b)(table, idx)
    return out.reshape(s0, s1, _D)

# --- scband reference (transcript-rebuilt; emitter-appended) ---
"""Pipeline reference for scband-spatial-position-embedding-64020782514540 (READ-ONLY COPY).

The authoritative reference and input builder live on the scoring server;
editing this copy changes nothing except your own understanding.
"""

import jax, jax.numpy as jnp
import numpy as np

N_EMBD = 128

def setup_inputs(seed: int = 0) -> dict:
    key = jax.random.key(seed)
    k1, k2, k3 = jax.random.split(key, 3)
    positions = jax.random.randint(k1, (4096, 200), 0, 900, dtype=jnp.int64)
    row_table = jax.random.normal(k2, (30, N_EMBD // 2), dtype=jnp.float32) * 0.02
    col_table = jax.random.normal(k3, (30, N_EMBD // 2), dtype=jnp.float32) * 0.02
    return {"positions": positions, "row_table": row_table, "col_table": col_table}

def reference(positions, row_table, col_table):
    row_indices = positions // 30
    col_indices = positions % 30
    row_indices = jnp.clip(row_indices, 0, 29)
    col_indices = jnp.clip(col_indices, 0, 29)
    row_emb = jnp.take(row_table, row_indices, axis=0)
    col_emb = jnp.take(col_table, col_indices, axis=0)
    spatial_emb = jnp.concatenate([row_emb, col_emb], axis=-1)
    return spatial_emb

if __name__ == "__main__":
    import jax
    _d = setup_inputs()
    print(jax.jit(kernel)(*tuple(_d.values())))

</pallas_src>

<mosaic_0001>
#map = affine_map<(d0, d1) -> (0, 0)>
#map1 = affine_map<(d0, d1) -> (0, 0, 0)>
module attributes {stable_mosaic.version = 14 : i64} {
  func.func @gather(%arg0: i32, %arg1: i32, %arg2: memref<1024x128xf32, #tpu.memory_space<hbm>>, %arg3: memref<32x200x128xi32, #tpu.memory_space<hbm>>, %arg4: memref<819200x128xf32, #tpu.memory_space<hbm>>, %arg5: memref<200x128xi32, #tpu.memory_space<vmem>>, %arg6: memref<512x128xf32, #tpu.memory_space<vmem>>, %arg7: memref<1024x128xf32, #tpu.memory_space<vmem_shared>>, %arg8: memref<!tpu.dma_semaphore, #tpu.memory_space<semaphore_mem>>, %arg9: memref<!tpu.dma_semaphore, #tpu.memory_space<semaphore_mem>>, %arg10: memref<!tpu.dma_semaphore, #tpu.memory_space<semaphore_mem>>, %arg11: memref<!tpu.dma_semaphore, #tpu.memory_space<semaphore_mem>>, %arg12: memref<!tpu.dma_semaphore, #tpu.memory_space<semaphore_mem>>, %arg13: memref<!tpu.dma_semaphore, #tpu.memory_space<semaphore_mem>>) attributes {dimension_semantics = [#tpu.dimension_semantics<core_parallel>, #tpu.dimension_semantics<subcore_parallel>], iteration_bounds = array<i64: 2, 16>, scalar_prefetch = 0 : i64, scratch_operands = 9 : i64, tpu.core_type = #tpu.core_type<sc_vector_subcore>, window_params = [{transform_indices = #map}, {transform_indices = #map1}, {transform_indices = #map}]} {
    %mul3A = arith.constant 2 : i32
    %mul3A_0 = arith.muli %arg1, %mul3A : i32
    %add3A = arith.addi %mul3A_0, %arg0 : i32
    %mul3A_1 = arith.constant 25600 : i32
    %mul3A_2 = arith.muli %add3A, %mul3A_1 : i32
    %eq3A = arith.constant 0 : i32
    %eq3A_3 = arith.cmpi eq, %arg1, %eq3A : i32
    %convert_element_type3A = arith.extui %eq3A_3 : i1 to i32
    %cond3A = arith.constant 0 : i32
    %cond3A_4 = arith.cmpi ne, %convert_element_type3A, %cond3A : i32
    scf.if %cond3A_4 {
      "tpu.region"() ({
        %run_scoped3A = tpu.sem_alloc : memref<!tpu.dma_semaphore, #tpu.memory_space<semaphore_mem>>
        tpu.enqueue_dma source(%arg2 : memref<1024x128xf32, #tpu.memory_space<hbm>>) target(%arg7 : memref<1024x128xf32, #tpu.memory_space<vmem_shared>>) target_semaphore(%run_scoped3A : memref<!tpu.dma_semaphore, #tpu.memory_space<semaphore_mem>>)
        tpu.wait_dma2 semaphore(%run_scoped3A : memref<!tpu.dma_semaphore, #tpu.memory_space<semaphore_mem>>) src(%arg2 : memref<1024x128xf32, #tpu.memory_space<hbm>>) dst(%arg7 : memref<1024x128xf32, #tpu.memory_space<vmem_shared>>)
        tpu.yield
      }) : () -> ()
    } else {
    }
    "tpu.region"() ({
      %run_scoped3A = tpu.sem_alloc : memref<!tpu.dma_semaphore, #tpu.memory_space<semaphore_mem>>
      %dma_start3A_132 = arith.constant 0 : i32
      %dma_start3A_133 = arith.constant 0 : i32
      %dma_start3A_134 = tpu.memref_slice %arg3[%add3A, %dma_start3A_132, %dma_start3A_133] : memref<32x200x128xi32, #tpu.memory_space<hbm>> -> memref<1x200x128xi32, #tpu.memory_space<hbm>>
      %dma_start3A_135 = tpu.memref_squeeze %dma_start3A_134 : memref<1x200x128xi32, #tpu.memory_space<hbm>> -> memref<200x128xi32, #tpu.memory_space<hbm>>
      %dma_start3A_136 = arith.constant 0 : i32
      %dma_start3A_137 = arith.constant 0 : i32
      %dma_start3A_138 = tpu.memref_slice %arg3[%add3A, %dma_start3A_136, %dma_start3A_137] : memref<32x200x128xi32, #tpu.memory_space<hbm>> -> memref<1x200x128xi32, #tpu.memory_space<hbm>>
      %dma_start3A_139 = tpu.memref_squeeze %dma_start3A_138 : memref<1x200x128xi32, #tpu.memory_space<hbm>> -> memref<200x128xi32, #tpu.memory_space<hbm>>
      tpu.enqueue_dma source(%dma_start3A_139 : memref<200x128xi32, #tpu.memory_space<hbm>>) target(%arg5 : memref<200x128xi32, #tpu.memory_space<vmem>>) target_semaphore(%run_scoped3A : memref<!tpu.dma_semaphore, #tpu.memory_space<semaphore_mem>>)
      %dma_wait3A_140 = arith.constant 0 : i32
      %dma_wait3A_141 = arith.constant 0 : i32
      %dma_wait3A_142 = tpu.memref_slice %arg3[%add3A, %dma_wait3A_140, %dma_wait3A_141] : memref<32x200x128xi32, #tpu.memory_space<hbm>> -> memref<1x200x128xi32, #tpu.memory_space<hbm>>
      %dma_wait3A_143 = tpu.memref_squeeze %dma_wait3A_142 : memref<1x200x128xi32, #tpu.memory_space<hbm>> -> memref<200x128xi32, #tpu.memory_space<hbm>>
      %dma_wait3A_144 = arith.constant 0 : i32
      %dma_wait3A_145 = arith.constant 0 : i32
      %dma_wait3A_146 = tpu.memref_slice %arg3[%add3A, %dma_wait3A_144, %dma_wait3A_145] : memref<32x200x128xi32, #tpu.memory_space<hbm>> -> memref<1x200x128xi32, #tpu.memory_space<hbm>>
      %dma_wait3A_147 = tpu.memref_squeeze %dma_wait3A_146 : memref<1x200x128xi32, #tpu.memory_space<hbm>> -> memref<200x128xi32, #tpu.memory_space<hbm>>
      tpu.wait_dma2 semaphore(%run_scoped3A : memref<!tpu.dma_semaphore, #tpu.memory_space<semaphore_mem>>) src(%dma_wait3A_147 : memref<200x128xi32, #tpu.memory_space<hbm>>) dst(%arg5 : memref<200x128xi32, #tpu.memory_space<vmem>>)
      tpu.yield
    }) : () -> ()
    %barrier3A = arith.constant 0 : index
    tpu.barrier barrier_id(%barrier3A)
    %dma_start3A = arith.constant 0 : i32
    %dma_start3A_5 = arith.constant 0 : i32
    %dma_start3A_6 = arith.constant 0 : i32
    %dma_start3A_7 = tpu.memref_slice %arg6[%dma_start3A_5, %dma_start3A_6] : memref<512x128xf32, #tpu.memory_space<vmem>> -> memref<128x128xf32, #tpu.memory_space<vmem>>
    %dma_start3A_8 = arith.constant 0 : i32
    %dma_start3A_9 = tpu.memref_slice %arg5[%dma_start3A, %dma_start3A_8] : memref<200x128xi32, #tpu.memory_space<vmem>> -> memref<1x128xi32, #tpu.memory_space<vmem>>
    %dma_start3A_10 = tpu.memref_squeeze %dma_start3A_9 : memref<1x128xi32, #tpu.memory_space<vmem>> -> memref<128xi32, #tpu.memory_space<vmem>>
    %dma_start3A_11 = arith.constant 0 : i32
    %dma_start3A_12 = arith.constant 0 : i32
    %dma_start3A_13 = tpu.memref_slice %arg7[%dma_start3A_11, %dma_start3A_12] : memref<1024x128xf32, #tpu.memory_space<vmem_shared>> -> memref<1024x128xf32, #tpu.memory_space<vmem_shared>>
    tpu.enqueue_indirect_dma source(%dma_start3A_13 : memref<1024x128xf32, #tpu.memory_space<vmem_shared>>) target(%dma_start3A_7 : memref<128x128xf32, #tpu.memory_space<vmem>>) offsets(%dma_start3A_10 : memref<128xi32, #tpu.memory_space<vmem>>) semaphore(%arg8 : memref<!tpu.dma_semaphore, #tpu.memory_space<semaphore_mem>>)
    %dma_start3A_14 = arith.constant 1 : i32
    %dma_start3A_15 = arith.constant 128 : i32
    %dma_start3A_16 = arith.constant 0 : i32
    %dma_start3A_17 = tpu.memref_slice %arg6[%dma_start3A_15, %dma_start3A_16] : memref<512x128xf32, #tpu.memory_space<vmem>> -> memref<128x128xf32, #tpu.memory_space<vmem>>
    %dma_start3A_18 = arith.constant 0 : i32
    %dma_start3A_19 = tpu.memref_slice %arg5[%dma_start3A_14, %dma_start3A_18] : memref<200x128xi32, #tpu.memory_space<vmem>> -> memref<1x128xi32, #tpu.memory_space<vmem>>
    %dma_start3A_20 = tpu.memref_squeeze %dma_start3A_19 : memref<1x128xi32, #tpu.memory_space<vmem>> -> memref<128xi32, #tpu.memory_space<vmem>>
    %dma_start3A_21 = arith.constant 0 : i32
    %dma_start3A_22 = arith.constant 0 : i32
    %dma_start3A_23 = tpu.memref_slice %arg7[%dma_start3A_21, %dma_start3A_22] : memref<1024x128xf32, #tpu.memory_space<vmem_shared>> -> memref<1024x128xf32, #tpu.memory_space<vmem_shared>>
    tpu.enqueue_indirect_dma source(%dma_start3A_23 : memref<1024x128xf32, #tpu.memory_space<vmem_shared>>) target(%dma_start3A_17 : memref<128x128xf32, #tpu.memory_space<vmem>>) offsets(%dma_start3A_20 : memref<128xi32, #tpu.memory_space<vmem>>) semaphore(%arg9 : memref<!tpu.dma_semaphore, #tpu.memory_space<semaphore_mem>>)
    %dma_start3A_24 = arith.constant 2 : i32
    %dma_start3A_25 = arith.constant 256 : i32
    %dma_start3A_26 = arith.constant 0 : i32
    %dma_start3A_27 = tpu.memref_slice %arg6[%dma_start3A_25, %dma_start3A_26] : memref<512x128xf32, #tpu.memory_space<vmem>> -> memref<128x128xf32, #tpu.memory_space<vmem>>
    %dma_start3A_28 = arith.constant 0 : i32
    %dma_start3A_29 = tpu.memref_slice %arg5[%dma_start3A_24, %dma_start3A_28] : memref<200x128xi32, #tpu.memory_space<vmem>> -> memref<1x128xi32, #tpu.memory_space<vmem>>
    %dma_start3A_30 = tpu.memref_squeeze %dma_start3A_29 : memref<1x128xi32, #tpu.memory_space<vmem>> -> memref<128xi32, #tpu.memory_space<vmem>>
    %dma_start3A_31 = arith.constant 0 : i32
    %dma_start3A_32 = arith.constant 0 : i32
    %dma_start3A_33 = tpu.memref_slice %arg7[%dma_start3A_31, %dma_start3A_32] : memref<1024x128xf32, #tpu.memory_space<vmem_shared>> -> memref<1024x128xf32, #tpu.memory_space<vmem_shared>>
    tpu.enqueue_indirect_dma source(%dma_start3A_33 : memref<1024x128xf32, #tpu.memory_space<vmem_shared>>) target(%dma_start3A_27 : memref<128x128xf32, #tpu.memory_space<vmem>>) offsets(%dma_start3A_30 : memref<128xi32, #tpu.memory_space<vmem>>) semaphore(%arg10 : memref<!tpu.dma_semaphore, #tpu.memory_space<semaphore_mem>>)
    %dma_start3A_34 = arith.constant 3 : i32
    %dma_start3A_35 = arith.constant 384 : i32
    %dma_start3A_36 = arith.constant 0 : i32
    %dma_start3A_37 = tpu.memref_slice %arg6[%dma_start3A_35, %dma_start3A_36] : memref<512x128xf32, #tpu.memory_space<vmem>> -> memref<128x128xf32, #tpu.memory_space<vmem>>
    %dma_start3A_38 = arith.constant 0 : i32
    %dma_start3A_39 = tpu.memref_slice %arg5[%dma_start3A_34, %dma_start3A_38] : memref<200x128xi32, #tpu.memory_space<vmem>> -> memref<1x128xi32, #tpu.memory_space<vmem>>
    %dma_start3A_40 = tpu.memref_squeeze %dma_start3A_39 : memref<1x128xi32, #tpu.memory_space<vmem>> -> memref<128xi32, #tpu.memory_space<vmem>>
    %dma_start3A_41 = arith.constant 0 : i32
    %dma_start3A_42 = arith.constant 0 : i32
    %dma_start3A_43 = tpu.memref_slice %arg7[%dma_start3A_41, %dma_start3A_42] : memref<1024x128xf32, #tpu.memory_space<vmem_shared>> -> memref<1024x128xf32, #tpu.memory_space<vmem_shared>>
    tpu.enqueue_indirect_dma source(%dma_start3A_43 : memref<1024x128xf32, #tpu.memory_space<vmem_shared>>) target(%dma_start3A_37 : memref<128x128xf32, #tpu.memory_space<vmem>>) offsets(%dma_start3A_40 : memref<128xi32, #tpu.memory_space<vmem>>) semaphore(%arg11 : memref<!tpu.dma_semaphore, #tpu.memory_space<semaphore_mem>>)
    %scan3A = arith.constant 0 : i32
    %scan3A_44 = arith.constant 0 : i32
    %scan3A_45 = arith.constant 49 : i32
    %scan3A_46 = arith.addi %scan3A_44, %scan3A_45 : i32
    %scan3A_47 = arith.constant 1 : i32
    scf.for %scan3A_132 = %scan3A_44 to %scan3A_46 step %scan3A_47  : i32 {
      %mul3A_133 = arith.constant 4 : i32
      %mul3A_134 = arith.muli %scan3A_132, %mul3A_133 : i32
      %dma_wait3A_135 = arith.constant 0 : i32
      %dma_wait3A_136 = arith.constant 0 : i32
      %dma_wait3A_137 = arith.constant 0 : i32
      %dma_wait3A_138 = tpu.memref_slice %arg6[%dma_wait3A_136, %dma_wait3A_137] : memref<512x128xf32, #tpu.memory_space<vmem>> -> memref<128x128xf32, #tpu.memory_space<vmem>>
      %dma_wait3A_139 = arith.constant 0 : i32
      %dma_wait3A_140 = tpu.memref_slice %arg5[%dma_wait3A_135, %dma_wait3A_139] : memref<200x128xi32, #tpu.memory_space<vmem>> -> memref<1x128xi32, #tpu.memory_space<vmem>>
      %dma_wait3A_141 = tpu.memref_squeeze %dma_wait3A_140 : memref<1x128xi32, #tpu.memory_space<vmem>> -> memref<128xi32, #tpu.memory_space<vmem>>
      %dma_wait3A_142 = arith.constant 0 : i32
      %dma_wait3A_143 = arith.constant 0 : i32
      %dma_wait3A_144 = tpu.memref_slice %arg7[%dma_wait3A_142, %dma_wait3A_143] : memref<1024x128xf32, #tpu.memory_space<vmem_shared>> -> memref<1024x128xf32, #tpu.memory_space<vmem_shared>>
      tpu.wait_indirect_dma semaphore(%arg8 : memref<!tpu.dma_semaphore, #tpu.memory_space<semaphore_mem>>) src(%dma_wait3A_144 : memref<1024x128xf32, #tpu.memory_space<vmem_shared>>) dst(%dma_wait3A_138 : memref<128x128xf32, #tpu.memory_space<vmem>>)
      %dma_wait3A_145 = arith.constant 0 : i32
      %dma_wait3A_146 = arith.constant 128 : i32
      %dma_wait3A_147 = arith.constant 0 : i32
      %dma_wait3A_148 = tpu.memref_slice %arg6[%dma_wait3A_146, %dma_wait3A_147] : memref<512x128xf32, #tpu.memory_space<vmem>> -> memref<128x128xf32, #tpu.memory_space<vmem>>
      %dma_wait3A_149 = arith.constant 0 : i32
      %dma_wait3A_150 = tpu.memref_slice %arg5[%dma_wait3A_145, %dma_wait3A_149] : memref<200x128xi32, #tpu.memory_space<vmem>> -> memref<1x128xi32, #tpu.memory_space<vmem>>
      %dma_wait3A_151 = tpu.memref_squeeze %dma_wait3A_150 : memref<1x128xi32, #tpu.memory_space<vmem>> -> memref<128xi32, #tpu.memory_space<vmem>>
      %dma_wait3A_152 = arith.constant 0 : i32
      %dma_wait3A_153 = arith.constant 0 : i32
      %dma_wait3A_154 = tpu.memref_slice %arg7[%dma_wait3A_152, %dma_wait3A_153] : memref<1024x128xf32, #tpu.memory_space<vmem_shared>> -> memref<1024x128xf32, #tpu.memory_space<vmem_shared>>
      tpu.wait_indirect_dma semaphore(%arg9 : memref<!tpu.dma_semaphore, #tpu.memory_space<semaphore_mem>>) src(%dma_wait3A_154 : memref<1024x128xf32, #tpu.memory_space<vmem_shared>>) dst(%dma_wait3A_148 : memref<128x128xf32, #tpu.memory_space<vmem>>)
      %add3A_155 = arith.constant 0 : i32
      %add3A_156 = arith.addi %mul3A_134, %add3A_155 : i32
      %mul3A_157 = arith.constant 128 : i32
      %mul3A_158 = arith.muli %add3A_156, %mul3A_157 : i32
      %add3A_159 = arith.addi %mul3A_2, %mul3A_158 : i32
      %dma_start3A_160 = arith.constant 0 : i32
      %dma_start3A_161 = arith.constant 0 : i32
      %dma_start3A_162 = tpu.memref_slice %arg6[%dma_start3A_160, %dma_start3A_161] : memref<512x128xf32, #tpu.memory_space<vmem>> -> memref<256x128xf32, #tpu.memory_space<vmem>>
      %dma_start3A_163 = arith.constant 0 : i32
      %dma_start3A_164 = tpu.memref_slice %arg4[%add3A_159, %dma_start3A_163] : memref<819200x128xf32, #tpu.memory_space<hbm>> -> memref<256x128xf32, #tpu.memory_space<hbm>>
      %dma_start3A_165 = arith.constant 0 : i32
      %dma_start3A_166 = tpu.memref_slice %arg4[%add3A_159, %dma_start3A_165] : memref<819200x128xf32, #tpu.memory_space<hbm>> -> memref<256x128xf32, #tpu.memory_space<hbm>>
      %dma_start3A_167 = arith.constant 0 : i32
      %dma_start3A_168 = arith.constant 0 : i32
      %dma_start3A_169 = tpu.memref_slice %arg6[%dma_start3A_167, %dma_start3A_168] : memref<512x128xf32, #tpu.memory_space<vmem>> -> memref<256x128xf32, #tpu.memory_space<vmem>>
      tpu.enqueue_dma source(%dma_start3A_169 : memref<256x128xf32, #tpu.memory_space<vmem>>) target(%dma_start3A_166 : memref<256x128xf32, #tpu.memory_space<hbm>>) target_semaphore(%arg12 : memref<!tpu.dma_semaphore, #tpu.memory_space<semaphore_mem>>)
      %dma_wait3A_170 = arith.constant 0 : i32
      %dma_wait3A_171 = arith.constant 256 : i32
      %dma_wait3A_172 = arith.constant 0 : i32
      %dma_wait3A_173 = tpu.memref_slice %arg6[%dma_wait3A_171, %dma_wait3A_172] : memref<512x128xf32, #tpu.memory_space<vmem>> -> memref<128x128xf32, #tpu.memory_space<vmem>>
      %dma_wait3A_174 = arith.constant 0 : i32
      %dma_wait3A_175 = tpu.memref_slice %arg5[%dma_wait3A_170, %dma_wait3A_174] : memref<200x128xi32, #tpu.memory_space<vmem>> -> memref<1x128xi32, #tpu.memory_space<vmem>>
      %dma_wait3A_176 = tpu.memref_squeeze %dma_wait3A_175 : memref<1x128xi32, #tpu.memory_space<vmem>> -> memref<128xi32, #tpu.memory_space<vmem>>
      %dma_wait3A_177 = arith.constant 0 : i32
      %dma_wait3A_178 = arith.constant 0 : i32
      %dma_wait3A_179 = tpu.memref_slice %arg7[%dma_wait3A_177, %dma_wait3A_178] : memref<1024x128xf32, #tpu.memory_space<vmem_shared>> -> memref<1024x128xf32, #tpu.memory_space<vmem_shared>>
      tpu.wait_indirect_dma semaphore(%arg10 : memref<!tpu.dma_semaphore, #tpu.memory_space<semaphore_mem>>) src(%dma_wait3A_179 : memref<1024x128xf32, #tpu.memory_space<vmem_shared>>) dst(%dma_wait3A_173 : memref<128x128xf32, #tpu.memory_space<vmem>>)
      %dma_wait3A_180 = arith.constant 0 : i32
      %dma_wait3A_181 = arith.constant 384 : i32
      %dma_wait3A_182 = arith.constant 0 : i32
      %dma_wait3A_183 = tpu.memref_slice %arg6[%dma_wait3A_181, %dma_wait3A_182] : memref<512x128xf32, #tpu.memory_space<vmem>> -> memref<128x128xf32, #tpu.memory_space<vmem>>
      %dma_wait3A_184 = arith.constant 0 : i32
      %dma_wait3A_185 = tpu.memref_slice %arg5[%dma_wait3A_180, %dma_wait3A_184] : memref<200x128xi32, #tpu.memory_space<vmem>> -> memref<1x128xi32, #tpu.memory_space<vmem>>
      %dma_wait3A_186 = tpu.memref_squeeze %dma_wait3A_185 : memref<1x128xi32, #tpu.memory_space<vmem>> -> memref<128xi32, #tpu.memory_space<vmem>>
      %dma_wait3A_187 = arith.constant 0 : i32
      %dma_wait3A_188 = arith.constant 0 : i32
      %dma_wait3A_189 = tpu.memref_slice %arg7[%dma_wait3A_187, %dma_wait3A_188] : memref<1024x128xf32, #tpu.memory_space<vmem_shared>> -> memref<1024x128xf32, #tpu.memory_space<vmem_shared>>
      tpu.wait_indirect_dma semaphore(%arg11 : memref<!tpu.dma_semaphore, #tpu.memory_space<semaphore_mem>>) src(%dma_wait3A_189 : memref<1024x128xf32, #tpu.memory_space<vmem_shared>>) dst(%dma_wait3A_183 : memref<128x128xf32, #tpu.memory_space<vmem>>)
      %add3A_190 = arith.constant 2 : i32
      %add3A_191 = arith.addi %mul3A_134, %add3A_190 : i32
      %mul3A_192 = arith.constant 128 : i32
      %mul3A_193 = arith.muli %add3A_191, %mul3A_192 : i32
      %add3A_194 = arith.addi %mul3A_2, %mul3A_193 : i32
      %dma_start3A_195 = arith.constant 256 : i32
      %dma_start3A_196 = arith.constant 0 : i32
      %dma_start3A_197 = tpu.memref_slice %arg6[%dma_start3A_195, %dma_start3A_196] : memref<512x128xf32, #tpu.memory_space<vmem>> -> memref<256x128xf32, #tpu.memory_space<vmem>>
      %dma_start3A_198 = arith.constant 0 : i32
      %dma_start3A_199 = tpu.memref_slice %arg4[%add3A_194, %dma_start3A_198] : memref<819200x128xf32, #tpu.memory_space<hbm>> -> memref<256x128xf32, #tpu.memory_space<hbm>>
      %dma_start3A_200 = arith.constant 0 : i32
      %dma_start3A_201 = tpu.memref_slice %arg4[%add3A_194, %dma_start3A_200] : memref<819200x128xf32, #tpu.memory_space<hbm>> -> memref<256x128xf32, #tpu.memory_space<hbm>>
      %dma_start3A_202 = arith.constant 256 : i32
      %dma_start3A_203 = arith.constant 0 : i32
      %dma_start3A_204 = tpu.memref_slice %arg6[%dma_start3A_202, %dma_start3A_203] : memref<512x128xf32, #tpu.memory_space<vmem>> -> memref<256x128xf32, #tpu.memory_space<vmem>>
      tpu.enqueue_dma source(%dma_start3A_204 : memref<256x128xf32, #tpu.memory_space<vmem>>) target(%dma_start3A_201 : memref<256x128xf32, #tpu.memory_space<hbm>>) target_semaphore(%arg13 : memref<!tpu.dma_semaphore, #tpu.memory_space<semaphore_mem>>)
      %dma_wait3A_205 = arith.constant 0 : i32
      %dma_wait3A_206 = arith.constant 0 : i32
      %dma_wait3A_207 = tpu.memref_slice %arg6[%dma_wait3A_205, %dma_wait3A_206] : memref<512x128xf32, #tpu.memory_space<vmem>> -> memref<256x128xf32, #tpu.memory_space<vmem>>
      %dma_wait3A_208 = arith.constant 0 : i32
      %dma_wait3A_209 = tpu.memref_slice %arg4[%mul3A_2, %dma_wait3A_208] : memref<819200x128xf32, #tpu.memory_space<hbm>> -> memref<256x128xf32, #tpu.memory_space<hbm>>
      %dma_wait3A_210 = arith.constant 0 : i32
      %dma_wait3A_211 = tpu.memref_slice %arg4[%mul3A_2, %dma_wait3A_210] : memref<819200x128xf32, #tpu.memory_space<hbm>> -> memref<256x128xf32, #tpu.memory_space<hbm>>
      %dma_wait3A_212 = arith.constant 0 : i32
      %dma_wait3A_213 = arith.constant 0 : i32
      %dma_wait3A_214 = tpu.memref_slice %arg6[%dma_wait3A_212, %dma_wait3A_213] : memref<512x128xf32, #tpu.memory_space<vmem>> -> memref<256x128xf32, #tpu.memory_space<vmem>>
      tpu.wait_dma2 semaphore(%arg12 : memref<!tpu.dma_semaphore, #tpu.memory_space<semaphore_mem>>) src(%dma_wait3A_214 : memref<256x128xf32, #tpu.memory_space<vmem>>) dst(%dma_wait3A_211 : memref<256x128xf32, #tpu.memory_space<hbm>>)
      %add3A_215 = arith.constant 4 : i32
      %add3A_216 = arith.addi %mul3A_134, %add3A_215 : i32
      %add3A_217 = arith.constant 0 : i32
      %add3A_218 = arith.addi %add3A_216, %add3A_217 : i32
      %dma_start3A_219 = arith.constant 0 : i32
      %dma_start3A_220 = arith.constant 0 : i32
      %dma_start3A_221 = tpu.memref_slice %arg6[%dma_start3A_219, %dma_start3A_220] : memref<512x128xf32, #tpu.memory_space<vmem>> -> memref<128x128xf32, #tpu.memory_space<vmem>>
      %dma_start3A_222 = arith.constant 0 : i32
      %dma_start3A_223 = tpu.memref_slice %arg5[%add3A_218, %dma_start3A_222] : memref<200x128xi32, #tpu.memory_space<vmem>> -> memref<1x128xi32, #tpu.memory_space<vmem>>
      %dma_start3A_224 = tpu.memref_squeeze %dma_start3A_223 : memref<1x128xi32, #tpu.memory_space<vmem>> -> memref<128xi32, #tpu.memory_space<vmem>>
      %dma_start3A_225 = arith.constant 0 : i32
      %dma_start3A_226 = arith.constant 0 : i32
      %dma_start3A_227 = tpu.memref_slice %arg7[%dma_start3A_225, %dma_start3A_226] : memref<1024x128xf32, #tpu.memory_space<vmem_shared>> -> memref<1024x128xf32, #tpu.memory_space<vmem_shared>>
      tpu.enqueue_indirect_dma source(%dma_start3A_227 : memref<1024x128xf32, #tpu.memory_space<vmem_shared>>) target(%dma_start3A_221 : memref<128x128xf32, #tpu.memory_space<vmem>>) offsets(%dma_start3A_224 : memref<128xi32, #tpu.memory_space<vmem>>) semaphore(%arg8 : memref<!tpu.dma_semaphore, #tpu.memory_space<semaphore_mem>>)
      %add3A_228 = arith.constant 5 : i32
      %add3A_229 = arith.addi %mul3A_134, %add3A_228 : i32
      %add3A_230 = arith.constant 0 : i32
      %add3A_231 = arith.addi %add3A_229, %add3A_230 : i32
      %dma_start3A_232 = arith.constant 128 : i32
      %dma_start3A_233 = arith.constant 0 : i32
      %dma_start3A_234 = tpu.memref_slice %arg6[%dma_start3A_232, %dma_start3A_233] : memref<512x128xf32, #tpu.memory_space<vmem>> -> memref<128x128xf32, #tpu.memory_space<vmem>>
      %dma_start3A_235 = arith.constant 0 : i32
      %dma_start3A_236 = tpu.memref_slice %arg5[%add3A_231, %dma_start3A_235] : memref<200x128xi32, #tpu.memory_space<vmem>> -> memref<1x128xi32, #tpu.memory_space<vmem>>
      %dma_start3A_237 = tpu.memref_squeeze %dma_start3A_236 : memref<1x128xi32, #tpu.memory_space<vmem>> -> memref<128xi32, #tpu.memory_space<vmem>>
      %dma_start3A_238 = arith.constant 0 : i32
      %dma_start3A_239 = arith.constant 0 : i32
      %dma_start3A_240 = tpu.memref_slice %arg7[%dma_start3A_238, %dma_start3A_239] : memref<1024x128xf32, #tpu.memory_space<vmem_shared>> -> memref<1024x128xf32, #tpu.memory_space<vmem_shared>>
      tpu.enqueue_indirect_dma source(%dma_start3A_240 : memref<1024x128xf32, #tpu.memory_space<vmem_shared>>) target(%dma_start3A_234 : memref<128x128xf32, #tpu.memory_space<vmem>>) offsets(%dma_start3A_237 : memref<128xi32, #tpu.memory_space<vmem>>) semaphore(%arg9 : memref<!tpu.dma_semaphore, #tpu.memory_space<semaphore_mem>>)
      %dma_wait3A_241 = arith.constant 256 : i32
      %dma_wait3A_242 = arith.constant 0 : i32
      %dma_wait3A_243 = tpu.memref_slice %arg6[%dma_wait3A_241, %dma_wait3A_242] : memref<512x128xf32, #tpu.memory_space<vmem>> -> memref<256x128xf32, #tpu.memory_space<vmem>>
      %dma_wait3A_244 = arith.constant 0 : i32
      %dma_wait3A_245 = tpu.memref_slice %arg4[%mul3A_2, %dma_wait3A_244] : memref<819200x128xf32, #tpu.memory_space<hbm>> -> memref<256x128xf32, #tpu.memory_space<hbm>>
      %dma_wait3A_246 = arith.constant 0 : i32
      %dma_wait3A_247 = tpu.memref_slice %arg4[%mul3A_2, %dma_wait3A_246] : memref<819200x128xf32, #tpu.memory_space<hbm>> -> memref<256x128xf32, #tpu.memory_space<hbm>>
      %dma_wait3A_248 = arith.constant 256 : i32
      %dma_wait3A_249 = arith.constant 0 : i32
      %dma_wait3A_250 = tpu.memref_slice %arg6[%dma_wait3A_248, %dma_wait3A_249] : memref<512x128xf32, #tpu.memory_space<vmem>> -> memref<256x128xf32, #tpu.memory_space<vmem>>
      tpu.wait_dma2 semaphore(%arg13 : memref<!tpu.dma_semaphore, #tpu.memory_space<semaphore_mem>>) src(%dma_wait3A_250 : memref<256x128xf32, #tpu.memory_space<vmem>>) dst(%dma_wait3A_247 : memref<256x128xf32, #tpu.memory_space<hbm>>)
      %add3A_251 = arith.constant 4 : i32
      %add3A_252 = arith.addi %mul3A_134, %add3A_251 : i32
      %add3A_253 = arith.constant 2 : i32
      %add3A_254 = arith.addi %add3A_252, %add3A_253 : i32
      %dma_start3A_255 = arith.constant 256 : i32
      %dma_start3A_256 = arith.constant 0 : i32
      %dma_start3A_257 = tpu.memref_slice %arg6[%dma_start3A_255, %dma_start3A_256] : memref<512x128xf32, #tpu.memory_space<vmem>> -> memref<128x128xf32, #tpu.memory_space<vmem>>
      %dma_start3A_258 = arith.constant 0 : i32
      %dma_start3A_259 = tpu.memref_slice %arg5[%add3A_254, %dma_start3A_258] : memref<200x128xi32, #tpu.memory_space<vmem>> -> memref<1x128xi32, #tpu.memory_space<vmem>>
      %dma_start3A_260 = tpu.memref_squeeze %dma_start3A_259 : memref<1x128xi32, #tpu.memory_space<vmem>> -> memref<128xi32, #tpu.memory_space<vmem>>
      %dma_start3A_261 = arith.constant 0 : i32
      %dma_start3A_262 = arith.constant 0 : i32
      %dma_start3A_263 = tpu.memref_slice %arg7[%dma_start3A_261, %dma_start3A_262] : memref<1024x128xf32, #tpu.memory_space<vmem_shared>> -> memref<1024x128xf32, #tpu.memory_space<vmem_shared>>
      tpu.enqueue_indirect_dma source(%dma_start3A_263 : memref<1024x128xf32, #tpu.memory_space<vmem_shared>>) target(%dma_start3A_257 : memref<128x128xf32, #tpu.memory_space<vmem>>) offsets(%dma_start3A_260 : memref<128xi32, #tpu.memory_space<vmem>>) semaphore(%arg10 : memref<!tpu.dma_semaphore, #tpu.memory_space<semaphore_mem>>)
      %add3A_264 = arith.constant 5 : i32
      %add3A_265 = arith.addi %mul3A_134, %add3A_264 : i32
      %add3A_266 = arith.constant 2 : i32
      %add3A_267 = arith.addi %add3A_265, %add3A_266 : i32
      %dma_start3A_268 = arith.constant 384 : i32
      %dma_start3A_269 = arith.constant 0 : i32
      %dma_start3A_270 = tpu.memref_slice %arg6[%dma_start3A_268, %dma_start3A_269] : memref<512x128xf32, #tpu.memory_space<vmem>> -> memref<128x128xf32, #tpu.memory_space<vmem>>
      %dma_start3A_271 = arith.constant 0 : i32
      %dma_start3A_272 = tpu.memref_slice %arg5[%add3A_267, %dma_start3A_271] : memref<200x128xi32, #tpu.memory_space<vmem>> -> memref<1x128xi32, #tpu.memory_space<vmem>>
      %dma_start3A_273 = tpu.memref_squeeze %dma_start3A_272 : memref<1x128xi32, #tpu.memory_space<vmem>> -> memref<128xi32, #tpu.memory_space<vmem>>
      %dma_start3A_274 = arith.constant 0 : i32
      %dma_start3A_275 = arith.constant 0 : i32
      %dma_start3A_276 = tpu.memref_slice %arg7[%dma_start3A_274, %dma_start3A_275] : memref<1024x128xf32, #tpu.memory_space<vmem_shared>> -> memref<1024x128xf32, #tpu.memory_space<vmem_shared>>
      tpu.enqueue_indirect_dma source(%dma_start3A_276 : memref<1024x128xf32, #tpu.memory_space<vmem_shared>>) target(%dma_start3A_270 : memref<128x128xf32, #tpu.memory_space<vmem>>) offsets(%dma_start3A_273 : memref<128xi32, #tpu.memory_space<vmem>>) semaphore(%arg11 : memref<!tpu.dma_semaphore, #tpu.memory_space<semaphore_mem>>)
    }
    %scan3A_48 = arith.constant 49 : i32
    %dma_wait3A = arith.constant 0 : i32
    %dma_wait3A_49 = arith.constant 0 : i32
    %dma_wait3A_50 = arith.constant 0 : i32
    %dma_wait3A_51 = tpu.memref_slice %arg6[%dma_wait3A_49, %dma_wait3A_50] : memref<512x128xf32, #tpu.memory_space<vmem>> -> memref<128x128xf32, #tpu.memory_space<vmem>>
    %dma_wait3A_52 = arith.constant 0 : i32
    %dma_wait3A_53 = tpu.memref_slice %arg5[%dma_wait3A, %dma_wait3A_52] : memref<200x128xi32, #tpu.memory_space<vmem>> -> memref<1x128xi32, #tpu.memory_space<vmem>>
    %dma_wait3A_54 = tpu.memref_squeeze %dma_wait3A_53 : memref<1x128xi32, #tpu.memory_space<vmem>> -> memref<128xi32, #tpu.memory_space<vmem>>
    %dma_wait3A_55 = arith.constant 0 : i32
    %dma_wait3A_56 = arith.constant 0 : i32
    %dma_wait3A_57 = tpu.memref_slice %arg7[%dma_wait3A_55, %dma_wait3A_56] : memref<1024x128xf32, #tpu.memory_space<vmem_shared>> -> memref<1024x128xf32, #tpu.memory_space<vmem_shared>>
    tpu.wait_indirect_dma semaphore(%arg8 : memref<!tpu.dma_semaphore, #tpu.memory_space<semaphore_mem>>) src(%dma_wait3A_57 : memref<1024x128xf32, #tpu.memory_space<vmem_shared>>) dst(%dma_wait3A_51 : memref<128x128xf32, #tpu.memory_space<vmem>>)
    %dma_wait3A_58 = arith.constant 0 : i32
    %dma_wait3A_59 = arith.constant 128 : i32
    %dma_wait3A_60 = arith.constant 0 : i32
    %dma_wait3A_61 = tpu.memref_slice %arg6[%dma_wait3A_59, %dma_wait3A_60] : memref<512x128xf32, #tpu.memory_space<vmem>> -> memref<128x128xf32, #tpu.memory_space<vmem>>
    %dma_wait3A_62 = arith.constant 0 : i32
    %dma_wait3A_63 = tpu.memref_slice %arg5[%dma_wait3A_58, %dma_wait3A_62] : memref<200x128xi32, #tpu.memory_space<vmem>> -> memref<1x128xi32, #tpu.memory_space<vmem>>
    %dma_wait3A_64 = tpu.memref_squeeze %dma_wait3A_63 : memref<1x128xi32, #tpu.memory_space<vmem>> -> memref<128xi32, #tpu.memory_space<vmem>>
    %dma_wait3A_65 = arith.constant 0 : i32
    %dma_wait3A_66 = arith.constant 0 : i32
    %dma_wait3A_67 = tpu.memref_slice %arg7[%dma_wait3A_65, %dma_wait3A_66] : memref<1024x128xf32, #tpu.memory_space<vmem_shared>> -> memref<1024x128xf32, #tpu.memory_space<vmem_shared>>
    tpu.wait_indirect_dma semaphore(%arg9 : memref<!tpu.dma_semaphore, #tpu.memory_space<semaphore_mem>>) src(%dma_wait3A_67 : memref<1024x128xf32, #tpu.memory_space<vmem_shared>>) dst(%dma_wait3A_61 : memref<128x128xf32, #tpu.memory_space<vmem>>)
    %add3A_68 = arith.constant 25088 : i32
    %add3A_69 = arith.addi %mul3A_2, %add3A_68 : i32
    %dma_start3A_70 = arith.constant 0 : i32
    %dma_start3A_71 = arith.constant 0 : i32
    %dma_start3A_72 = tpu.memref_slice %arg6[%dma_start3A_70, %dma_start3A_71] : memref<512x128xf32, #tpu.memory_space<vmem>> -> memref<256x128xf32, #tpu.memory_space<vmem>>
    %dma_start3A_73 = arith.constant 0 : i32
    %dma_start3A_74 = tpu.memref_slice %arg4[%add3A_69, %dma_start3A_73] : memref<819200x128xf32, #tpu.memory_space<hbm>> -> memref<256x128xf32, #tpu.memory_space<hbm>>
    %dma_start3A_75 = arith.constant 0 : i32
    %dma_start3A_76 = tpu.memref_slice %arg4[%add3A_69, %dma_start3A_75] : memref<819200x128xf32, #tpu.memory_space<hbm>> -> memref<256x128xf32, #tpu.memory_space<hbm>>
    %dma_start3A_77 = arith.constant 0 : i32
    %dma_start3A_78 = arith.constant 0 : i32
    %dma_start3A_79 = tpu.memref_slice %arg6[%dma_start3A_77, %dma_start3A_78] : memref<512x128xf32, #tpu.memory_space<vmem>> -> memref<256x128xf32, #tpu.memory_space<vmem>>
    tpu.enqueue_dma source(%dma_start3A_79 : memref<256x128xf32, #tpu.memory_space<vmem>>) target(%dma_start3A_76 : memref<256x128xf32, #tpu.memory_space<hbm>>) target_semaphore(%arg12 : memref<!tpu.dma_semaphore, #tpu.memory_space<semaphore_mem>>)
    %dma_wait3A_80 = arith.constant 0 : i32
    %dma_wait3A_81 = arith.constant 256 : i32
    %dma_wait3A_82 = arith.constant 0 : i32
    %dma_wait3A_83 = tpu.memref_slice %arg6[%dma_wait3A_81, %dma_wait3A_82] : memref<512x128xf32, #tpu.memory_space<vmem>> -> memref<128x128xf32, #tpu.memory_space<vmem>>
    %dma_wait3A_84 = arith.constant 0 : i32
    %dma_wait3A_85 = tpu.memref_slice %arg5[%dma_wait3A_80, %dma_wait3A_84] : memref<200x128xi32, #tpu.memory_space<vmem>> -> memref<1x128xi32, #tpu.memory_space<vmem>>
    %dma_wait3A_86 = tpu.memref_squeeze %dma_wait3A_85 : memref<1x128xi32, #tpu.memory_space<vmem>> -> memref<128xi32, #tpu.memory_space<vmem>>
    %dma_wait3A_87 = arith.constant 0 : i32
    %dma_wait3A_88 = arith.constant 0 : i32
    %dma_wait3A_89 = tpu.memref_slice %arg7[%dma_wait3A_87, %dma_wait3A_88] : memref<1024x128xf32, #tpu.memory_space<vmem_shared>> -> memref<1024x128xf32, #tpu.memory_space<vmem_shared>>
    tpu.wait_indirect_dma semaphore(%arg10 : memref<!tpu.dma_semaphore, #tpu.memory_space<semaphore_mem>>) src(%dma_wait3A_89 : memref<1024x128xf32, #tpu.memory_space<vmem_shared>>) dst(%dma_wait3A_83 : memref<128x128xf32, #tpu.memory_space<vmem>>)
    %dma_wait3A_90 = arith.constant 0 : i32
    %dma_wait3A_91 = arith.constant 384 : i32
    %dma_wait3A_92 = arith.constant 0 : i32
    %dma_wait3A_93 = tpu.memref_slice %arg6[%dma_wait3A_91, %dma_wait3A_92] : memref<512x128xf32, #tpu.memory_space<vmem>> -> memref<128x128xf32, #tpu.memory_space<vmem>>
    %dma_wait3A_94 = arith.constant 0 : i32
    %dma_wait3A_95 = tpu.memref_slice %arg5[%dma_wait3A_90, %dma_wait3A_94] : memref<200x128xi32, #tpu.memory_space<vmem>> -> memref<1x128xi32, #tpu.memory_space<vmem>>
    %dma_wait3A_96 = tpu.memref_squeeze %dma_wait3A_95 : memref<1x128xi32, #tpu.memory_space<vmem>> -> memref<128xi32, #tpu.memory_space<vmem>>
    %dma_wait3A_97 = arith.constant 0 : i32
    %dma_wait3A_98 = arith.constant 0 : i32
    %dma_wait3A_99 = tpu.memref_slice %arg7[%dma_wait3A_97, %dma_wait3A_98] : memref<1024x128xf32, #tpu.memory_space<vmem_shared>> -> memref<1024x128xf32, #tpu.memory_space<vmem_shared>>
    tpu.wait_indirect_dma semaphore(%arg11 : memref<!tpu.dma_semaphore, #tpu.memory_space<semaphore_mem>>) src(%dma_wait3A_99 : memref<1024x128xf32, #tpu.memory_space<vmem_shared>>) dst(%dma_wait3A_93 : memref<128x128xf32, #tpu.memory_space<vmem>>)
    %add3A_100 = arith.constant 25344 : i32
    %add3A_101 = arith.addi %mul3A_2, %add3A_100 : i32
    %dma_start3A_102 = arith.constant 256 : i32
    %dma_start3A_103 = arith.constant 0 : i32
    %dma_start3A_104 = tpu.memref_slice %arg6[%dma_start3A_102, %dma_start3A_103] : memref<512x128xf32, #tpu.memory_space<vmem>> -> memref<256x128xf32, #tpu.memory_space<vmem>>
    %dma_start3A_105 = arith.constant 0 : i32
    %dma_start3A_106 = tpu.memref_slice %arg4[%add3A_101, %dma_start3A_105] : memref<819200x128xf32, #tpu.memory_space<hbm>> -> memref<256x128xf32, #tpu.memory_space<hbm>>
    %dma_start3A_107 = arith.constant 0 : i32
    %dma_start3A_108 = tpu.memref_slice %arg4[%add3A_101, %dma_start3A_107] : memref<819200x128xf32, #tpu.memory_space<hbm>> -> memref<256x128xf32, #tpu.memory_space<hbm>>
    %dma_start3A_109 = arith.constant 256 : i32
    %dma_start3A_110 = arith.constant 0 : i32
    %dma_start3A_111 = tpu.memref_slice %arg6[%dma_start3A_109, %dma_start3A_110] : memref<512x128xf32, #tpu.memory_space<vmem>> -> memref<256x128xf32, #tpu.memory_space<vmem>>
    tpu.enqueue_dma source(%dma_start3A_111 : memref<256x128xf32, #tpu.memory_space<vmem>>) target(%dma_start3A_108 : memref<256x128xf32, #tpu.memory_space<hbm>>) target_semaphore(%arg13 : memref<!tpu.dma_semaphore, #tpu.memory_space<semaphore_mem>>)
    %dma_wait3A_112 = arith.constant 0 : i32
    %dma_wait3A_113 = arith.constant 0 : i32
    %dma_wait3A_114 = tpu.memref_slice %arg6[%dma_wait3A_112, %dma_wait3A_113] : memref<512x128xf32, #tpu.memory_space<vmem>> -> memref<256x128xf32, #tpu.memory_space<vmem>>
    %dma_wait3A_115 = arith.constant 0 : i32
    %dma_wait3A_116 = tpu.memref_slice %arg4[%mul3A_2, %dma_wait3A_115] : memref<819200x128xf32, #tpu.memory_space<hbm>> -> memref<256x128xf32, #tpu.memory_space<hbm>>
    %dma_wait3A_117 = arith.constant 0 : i32
    %dma_wait3A_118 = tpu.memref_slice %arg4[%mul3A_2, %dma_wait3A_117] : memref<819200x128xf32, #tpu.memory_space<hbm>> -> memref<256x128xf32, #tpu.memory_space<hbm>>
    %dma_wait3A_119 = arith.constant 0 : i32
    %dma_wait3A_120 = arith.constant 0 : i32
    %dma_wait3A_121 = tpu.memref_slice %arg6[%dma_wait3A_119, %dma_wait3A_120] : memref<512x128xf32, #tpu.memory_space<vmem>> -> memref<256x128xf32, #tpu.memory_space<vmem>>
    tpu.wait_dma2 semaphore(%arg12 : memref<!tpu.dma_semaphore, #tpu.memory_space<semaphore_mem>>) src(%dma_wait3A_121 : memref<256x128xf32, #tpu.memory_space<vmem>>) dst(%dma_wait3A_118 : memref<256x128xf32, #tpu.memory_space<hbm>>)
    %dma_wait3A_122 = arith.constant 256 : i32
    %dma_wait3A_123 = arith.constant 0 : i32
    %dma_wait3A_124 = tpu.memref_slice %arg6[%dma_wait3A_122, %dma_wait3A_123] : memref<512x128xf32, #tpu.memory_space<vmem>> -> memref<256x128xf32, #tpu.memory_space<vmem>>
    %dma_wait3A_125 = arith.constant 0 : i32
    %dma_wait3A_126 = tpu.memref_slice %arg4[%mul3A_2, %dma_wait3A_125] : memref<819200x128xf32, #tpu.memory_space<hbm>> -> memref<256x128xf32, #tpu.memory_space<hbm>>
    %dma_wait3A_127 = arith.constant 0 : i32
    %dma_wait3A_128 = tpu.memref_slice %arg4[%mul3A_2, %dma_wait3A_127] : memref<819200x128xf32, #tpu.memory_space<hbm>> -> memref<256x128xf32, #tpu.memory_space<hbm>>
    %dma_wait3A_129 = arith.constant 256 : i32
    %dma_wait3A_130 = arith.constant 0 : i32
    %dma_wait3A_131 = tpu.memref_slice %arg6[%dma_wait3A_129, %dma_wait3A_130] : memref<512x128xf32, #tpu.memory_space<vmem>> -> memref<256x128xf32, #tpu.memory_space<vmem>>
    tpu.wait_dma2 semaphore(%arg13 : memref<!tpu.dma_semaphore, #tpu.memory_space<semaphore_mem>>) src(%dma_wait3A_131 : memref<256x128xf32, #tpu.memory_space<vmem>>) dst(%dma_wait3A_128 : memref<256x128xf32, #tpu.memory_space<hbm>>)
    return
  }
}

module attributes {stable_mosaic.version = 14 : i64} {
  func.func @_table_body(%arg0: memref<32x64xf32, #tpu.memory_space<vmem>>, %arg1: memref<32x64xf32, #tpu.memory_space<vmem>>, %arg2: memref<1024x128xf32, #tpu.memory_space<vmem>>) attributes {dimension_semantics = [], scalar_prefetch = 0 : i64, scratch_operands = 0 : i64, tpu.core_type = #tpu.core_type<tc>} {
    %iota3A = tpu.iota {dimensions = array<i32: 0>} : vector<1024x32xi32>
    %iota3A_0 = tpu.iota {dimensions = array<i32: 1>} : vector<1024x32xi32>
    %jit3A = arith.constant 30 : i32
    %div3A = vector.broadcast %jit3A : i32 to vector<1024x32xi32>
    %div3A_1 = arith.divsi %iota3A, %div3A : vector<1024x32xi32>
    %sign3A = arith.constant 0 : i32
    %sign3A_2 = vector.broadcast %sign3A : i32 to vector<1024x32xi32>
    %sign3A_3 = arith.cmpi sgt, %iota3A, %sign3A_2 : vector<1024x32xi32>
    %sign3A_4 = arith.extui %sign3A_3 : vector<1024x32xi1> to vector<1024x32xi32>
    %sign3A_5 = arith.constant 0 : i32
    %sign3A_6 = vector.broadcast %sign3A_5 : i32 to vector<1024x32xi32>
    %sign3A_7 = arith.cmpi slt, %iota3A, %sign3A_6 : vector<1024x32xi32>
    %sign3A_8 = arith.extui %sign3A_7 : vector<1024x32xi1> to vector<1024x32xi32>
    %sign3A_9 = arith.subi %sign3A_4, %sign3A_8 : vector<1024x32xi32>
    %sign3A_10 = arith.constant 0 : i32
    %sign3A_11 = arith.cmpi sgt, %jit3A, %sign3A_10 : i32
    %sign3A_12 = arith.extui %sign3A_11 : i1 to i32
    %sign3A_13 = arith.constant 0 : i32
    %sign3A_14 = arith.cmpi slt, %jit3A, %sign3A_13 : i32
    %sign3A_15 = arith.extui %sign3A_14 : i1 to i32
    %sign3A_16 = arith.subi %sign3A_12, %sign3A_15 : i32
    %ne3A = vector.broadcast %sign3A_16 : i32 to vector<1024x32xi32>
    %ne3A_17 = arith.cmpi ne, %sign3A_9, %ne3A : vector<1024x32xi32>
    %rem3A = vector.broadcast %jit3A : i32 to vector<1024x32xi32>
    %rem3A_18 = arith.remsi %iota3A, %rem3A : vector<1024x32xi32>
    %ne3A_19 = arith.constant 0 : i32
    %ne3A_20 = vector.broadcast %ne3A_19 : i32 to vector<1024x32xi32>
    %ne3A_21 = arith.cmpi ne, %rem3A_18, %ne3A_20 : vector<1024x32xi32>
    %and3A = arith.andi %ne3A_17, %ne3A_21 : vector<1024x32xi1>
    %sub3A = arith.constant 1 : i32
    %sub3A_22 = vector.broadcast %sub3A : i32 to vector<1024x32xi32>
    %sub3A_23 = arith.subi %div3A_1, %sub3A_22 : vector<1024x32xi32>
    %select_n3A = arith.select %and3A, %sub3A_23, %div3A_1 : vector<1024x32xi1>, vector<1024x32xi32>
    %jit3A_24 = arith.constant 0 : i32
    %jit3A_25 = arith.constant 29 : i32
    %max3A = vector.broadcast %jit3A_24 : i32 to vector<1024x32xi32>
    %max3A_26 = arith.maxsi %max3A, %select_n3A : vector<1024x32xi32>
    %min3A = vector.broadcast %jit3A_25 : i32 to vector<1024x32xi32>
    %min3A_27 = arith.minsi %min3A, %max3A_26 : vector<1024x32xi32>
    %jit3A_28 = arith.constant 30 : i32
    %div3A_29 = vector.broadcast %jit3A_28 : i32 to vector<1024x32xi32>
    %div3A_30 = arith.divsi %iota3A, %div3A_29 : vector<1024x32xi32>
    %sign3A_31 = arith.constant 0 : i32
    %sign3A_32 = vector.broadcast %sign3A_31 : i32 to vector<1024x32xi32>
    %sign3A_33 = arith.cmpi sgt, %iota3A, %sign3A_32 : vector<1024x32xi32>
    %sign3A_34 = arith.extui %sign3A_33 : vector<1024x32xi1> to vector<1024x32xi32>
    %sign3A_35 = arith.constant 0 : i32
    %sign3A_36 = vector.broadcast %sign3A_35 : i32 to vector<1024x32xi32>
    %sign3A_37 = arith.cmpi slt, %iota3A, %sign3A_36 : vector<1024x32xi32>
    %sign3A_38 = arith.extui %sign3A_37 : vector<1024x32xi1> to vector<1024x32xi32>
    %sign3A_39 = arith.subi %sign3A_34, %sign3A_38 : vector<1024x32xi32>
    %sign3A_40 = arith.constant 0 : i32
    %sign3A_41 = arith.cmpi sgt, %jit3A_28, %sign3A_40 : i32
    %sign3A_42 = arith.extui %sign3A_41 : i1 to i32
    %sign3A_43 = arith.constant 0 : i32
    %sign3A_44 = arith.cmpi slt, %jit3A_28, %sign3A_43 : i32
    %sign3A_45 = arith.extui %sign3A_44 : i1 to i32
    %sign3A_46 = arith.subi %sign3A_42, %sign3A_45 : i32
    %ne3A_47 = vector.broadcast %sign3A_46 : i32 to vector<1024x32xi32>
    %ne3A_48 = arith.cmpi ne, %sign3A_39, %ne3A_47 : vector<1024x32xi32>
    %rem3A_49 = vector.broadcast %jit3A_28 : i32 to vector<1024x32xi32>
    %rem3A_50 = arith.remsi %iota3A, %rem3A_49 : vector<1024x32xi32>
    %ne3A_51 = arith.constant 0 : i32
    %ne3A_52 = vector.broadcast %ne3A_51 : i32 to vector<1024x32xi32>
    %ne3A_53 = arith.cmpi ne, %rem3A_50, %ne3A_52 : vector<1024x32xi32>
    %and3A_54 = arith.andi %ne3A_48, %ne3A_53 : vector<1024x32xi1>
    %sub3A_55 = arith.constant 1 : i32
    %sub3A_56 = vector.broadcast %sub3A_55 : i32 to vector<1024x32xi32>
    %sub3A_57 = arith.subi %div3A_30, %sub3A_56 : vector<1024x32xi32>
    %select_n3A_58 = arith.select %and3A_54, %sub3A_57, %div3A_30 : vector<1024x32xi1>, vector<1024x32xi32>
    %mul3A = arith.constant 30 : i32
    %mul3A_59 = vector.broadcast %mul3A : i32 to vector<1024x32xi32>
    %mul3A_60 = arith.muli %mul3A_59, %select_n3A_58 : vector<1024x32xi32>
    %sub3A_61 = arith.subi %iota3A, %mul3A_60 : vector<1024x32xi32>
    %eq3A = arith.cmpi eq, %min3A_27, %iota3A_0 : vector<1024x32xi32>
    %convert_element_type3A = arith.extui %eq3A : vector<1024x32xi1> to vector<1024x32xi32>
    %convert_element_type3A_62 = arith.sitofp %convert_element_type3A : vector<1024x32xi32> to vector<1024x32xf32>
    %eq3A_63 = arith.cmpi eq, %sub3A_61, %iota3A_0 : vector<1024x32xi32>
    %convert_element_type3A_64 = arith.extui %eq3A_63 : vector<1024x32xi1> to vector<1024x32xi32>
    %convert_element_type3A_65 = arith.sitofp %convert_element_type3A_64 : vector<1024x32xi32> to vector<1024x32xf32>
    %get3A = arith.constant 0 : index
    %get3A_66 = arith.constant 0 : index
    %get3A_67 = vector.load %arg0[%get3A, %get3A_66] : memref<32x64xf32, #tpu.memory_space<vmem>>, vector<32x64xf32>
    %dot_general3A = arith.constant dense<0.000000e+00> : vector<1024x64xf32>
    %dot_general3A_68 = tpu.matmul %convert_element_type3A_62, %get3A_67, %dot_general3A {dimension_numbers = #tpu.dot_dimension_numbers<[1], [0], [0], [1], [0, 0, 1, 1], [], []>, precision = #tpu.contract_precision<fp32>, transpose_lhs_hint = false} : vector<1024x32xf32>, vector<32x64xf32>, vector<1024x64xf32> -> vector<1024x64xf32>
    %get3A_69 = arith.constant 0 : index
    %get3A_70 = arith.constant 0 : index
    %get3A_71 = vector.load %arg1[%get3A_69, %get3A_70] : memref<32x64xf32, #tpu.memory_space<vmem>>, vector<32x64xf32>
    %dot_general3A_72 = arith.constant dense<0.000000e+00> : vector<1024x64xf32>
    %dot_general3A_73 = tpu.matmul %convert_element_type3A_65, %get3A_71, %dot_general3A_72 {dimension_numbers = #tpu.dot_dimension_numbers<[1], [0], [0], [1], [0, 0, 1, 1], [], []>, precision = #tpu.contract_precision<fp32>, transpose_lhs_hint = false} : vector<1024x32xf32>, vector<32x64xf32>, vector<1024x64xf32> -> vector<1024x64xf32>
    %concatenate3A = tpu.concatenate %dot_general3A_68, %dot_general3A_73 in 1 : vector<1024x64xf32>, vector<1024x64xf32> -> vector<1024x128xf32>
    %swap3A = arith.constant 0 : index
    %swap3A_74 = arith.constant 0 : index
    %swap3A_75 = vector.load %arg2[%swap3A, %swap3A_74] : memref<1024x128xf32, #tpu.memory_space<vmem>>, vector<1024x128xf32>
    tpu.vector_store %arg2[%swap3A, %swap3A_74], %concatenate3A {strides = array<i32>} : memref<1024x128xf32, #tpu.memory_space<vmem>>, vector<1024x128xf32>,
    return
  }
}

</mosaic_0001>

<sc_bundles>
// kernel: kernel.4.cloned.1.call-start
scs
__scs_entry_jumppad:
0x0: {  	(pc) =	sbr.rel $0x88, $3  }
0x1: {  	(tag) =	ssettag $0x0;
	lr =	simm.s32 $0x1  }
0x2: {  	[smem:$0x3F9E] =	sst lr;
	_ =	strace $0xD0000000  }
0x3: {  	_ = 	snop  }
0x4: {  	_ = 	snop  }
0x5: {  	_ = 	snop  }
0x6: {  	_ = 	snop  }
0x7: {  	_ = 	snop  }
__scs_overlays_trampoline_lowered:
0x8: {  	[smem:$0x3FAD] =	sst s0  }
0x9: {  	[smem:$0x3FAE] =	sst s1  }
0xa: {  	[smem:$0x3FAF] =	sst s2  }
0xb: {  	[smem:$0x3FB0] =	sst s3  }
0xc: {  	[smem:$0x3FB1] =	sst s4  }
0xd: {  	[smem:$0x3FB2] =	sst s5  }
0xe: {  	[smem:$0x3FB3] =	sst s6  }
0xf: {  	[smem:$0x3FB4] =	sst s7  }
0x10: {  	[smem:$0x3FB5] =	sst s8  }
0x11: {  	[smem:$0x3FB6] =	sst s9;
	s0 =	simm.s32 @!p0 $0x0  }
0x12: {  	s1 =	sld [smem:$0x3F9C];
	s0 =	simm.s32 @p0 $0x1  }
0x13: {  	[smem:$0x3FB7] =	sst s0;
	s0 =	simm.s32 @!p1 $0x0  }
0x14: {  	s2 =	sld [smem:$0x3F9B];
	s0 =	simm.s32 @p1 $0x1  }
0x15: {  	[smem:$0x3FB8] =	sst s0;
	s0 =	simm.s32 @!p2 $0x0  }
0x16: {  	s3 =	sld [smem:$0x3FDB];
	s0 =	simm.s32 @p2 $0x1  }
0x17: {  	s4 =	simm.s32 $0x1BF5;
	[smem:$0x3FBA] =	sst s0  }
0x18: {  	s0 =	sld [smem:$0x3F9D];
	_ =	swait.ge [sflag:s4], $0x0  }
0x19: {  	s7 =	sld [smem:$0x3F9E]  }
0x1a: {  	s8 =	sadd.s32 $0xFFFFE003, lr  }
0x1b: {  	s9 =	sadd.s32 $0xFFFFFEF7, lr;
	s5 =	simm.s32 $0xFFFFFFFF;
	p2 =	slt.u32 s8, $0xFFFFF086  }
0x1c: {  	p1 =	slt.u32 s9, $0xF7A;
	s5 =	simm.s32 @!p2 $0x0  }
0x1d: {  	s5 =	simm.s32 @p1 $0x1;
	p0 =	seq.s32 s7, s2  }
0x1e: {  	s7 =	smul.u32 @!p0 $0xF7A, s2;
	p2 =	seq.s32 @!p0 s5, $0x0  }
0x1f: {  	s9 =	smul.u32 $0xF7A, s1;
	s8 =	simm.s32 @!p0 $0x1BF5;
	p2 =	por !p2, p0  }
0x20: {  	[sflag:s8] =	ssyncset.s32 @!p0 $0xFFFFF086;
	s6 =	sadd.s32 @!p0 s3, s7;
	s7 =	simm.s32 @!p0 $0x108  }
0x21: {  	s3 =	sadd.s32 s3, s9;
	s6 =	sadd.s32 @!p0 $0x88, s6;
	s7 =	simm.s32 @p2 $0x1082  }
0x22: {  	[simem:s7], [sflag:s8] =	dma.local @!p0 [hbm:s6], $0xF7A  }
0x23: {  	s9 =	sor.u32 $0xD0000000, s2;
	s6 =	simm.s32 $0x108;
	_ =	swait.ge @!p0 [sflag:s8], $0x0  }
0x24: {  	s3 =	sadd.s32 $0x88, s3;
	s6 =	simm.s32 @!p1 $0x1082;
	[sflag:s4] =	ssyncset.s32 $0xFFFFF086  }
0x25: {  	[simem:s6], [sflag:s4] =	dma.local [hbm:s3], $0xF7A  }
0x26: {  	[smem:$0x3F9E] =	sst s1;
	(tag) =	ssettag s2;
	_ =	strace s9  }
0x27: {  	s1 =	sld [smem:$0x3FAE]  }
0x28: {  	s2 =	sld [smem:$0x3FAF]  }
0x29: {  	s4 =	sld [smem:$0x3FB1]  }
0x2a: {  	p0 =	seq.s32 s5, $0x0;
	s5 =	sld [smem:$0x3FB2]  }
0x2b: {  	s6 =	sld [smem:$0x3FB3]  }
0x2c: {  	s7 =	sld [smem:$0x3FB4]  }
0x2d: {  	s3 =	simm.s32 $0x108;
	s8 =	sld [smem:$0x3FB5]  }
0x2e: {  	s3 =	simm.s32 @!p0 $0x1082;
	s9 =	sld [smem:$0x3FB6]  }
0x2f: {  	lr =	sadd.s32 s0, s3;
	s0 =	sld [smem:$0x3FAD]  }
0x30: {  	s3 =	sld [smem:$0x3FB0]  }
0x31: {  	[smem:$0x3FB9] =	sst s10  }
0x32: {  	s10 =	sld [smem:$0x3FB7];
	_ =	sdelay $0x3  }
0x33: {  	p0 =	seq.s32 s10, $0x1;
	s10 =	sld [smem:$0x3FB9];
	_ =	sdelay $0x3  }
0x34: {  	[smem:$0x3FB9] =	sst s10  }
0x35: {  	s10 =	sld [smem:$0x3FB8];
	_ =	sdelay $0x3  }
0x36: {  	p1 =	seq.s32 s10, $0x1;
	s10 =	sld [smem:$0x3FB9];
	_ =	sdelay $0x3  }
0x37: {  	[smem:$0x3FB9] =	sst s10  }
0x38: {  	s10 =	sld [smem:$0x3FBA]  }
0x39: {  	_ = 	snop;
	(pc) =	sbr.ind lr, $3  }
0x3a: {  	_ = 	snop  }
0x3b: {  	_ = 	snop  }
0x3c: {  	p2 =	seq.s32 s10, $0x1;
	s10 =	sld [smem:$0x3FB9]  }
0x3d: {  	_ =	shalt  }
0x3e: {  	_ =	shalt  }
0x3f: {  	_ =	shalt  }
0x40: {  	_ =	shalt  }
0x41: {  	_ =	shalt  }
0x42: {  	_ =	shalt  }
0x43: {  	_ =	shalt  }
0x44: {  	_ =	shalt  }
0x45: {  	_ =	shalt  }
0x46: {  	_ =	shalt  }
0x47: {  	_ =	shalt  }
0x48: {  	_ =	shalt  }
0x49: {  	_ =	shalt  }
0x4a: {  	_ =	shalt  }
0x4b: {  	_ =	shalt  }
0x4c: {  	_ =	shalt  }
0x4d: {  	_ =	shalt  }
0x4e: {  	_ =	shalt  }
0x4f: {  	_ =	shalt  }
0x50: {  	_ =	shalt  }
0x51: {  	_ =	shalt  }
0x52: {  	_ =	shalt  }
0x53: {  	_ =	shalt  }
0x54: {  	_ =	shalt  }
0x55: {  	_ =	shalt  }
0x56: {  	_ =	shalt  }
0x57: {  	_ =	shalt  }
0x58: {  	_ =	shalt  }
0x59: {  	_ =	shalt  }
0x5a: {  	_ =	shalt  }
0x5b: {  	_ =	shalt  }
0x5c: {  	_ =	shalt  }
0x5d: {  	_ =	shalt  }
0x5e: {  	_ =	shalt  }
0x5f: {  	_ =	shalt  }
0x60: {  	_ =	shalt  }
0x61: {  	_ =	shalt  }
0x62: {  	_ =	shalt  }
0x63: {  	_ =	shalt  }
0x64: {  	_ =	shalt  }
0x65: {  	_ =	shalt  }
0x66: {  	_ =	shalt  }
0x67: {  	_ =	shalt  }
0x68: {  	_ =	shalt  }
0x69: {  	_ =	shalt  }
0x6a: {  	_ =	shalt  }
0x6b: {  	_ =	shalt  }
0x6c: {  	_ =	shalt  }
0x6d: {  	_ =	shalt  }
0x6e: {  	_ =	shalt  }
0x6f: {  	_ =	shalt  }
0x70: {  	_ =	shalt  }
0x71: {  	_ =	shalt  }
0x72: {  	_ =	shalt  }
0x73: {  	_ =	shalt  }
0x74: {  	_ =	shalt  }
0x75: {  	_ =	shalt  }
0x76: {  	_ =	shalt  }
0x77: {  	_ =	shalt  }
0x78: {  	_ =	shalt  }
0x79: {  	_ =	shalt  }
0x7a: {  	_ =	shalt  }
0x7b: {  	_ =	shalt  }
0x7c: {  	_ =	shalt  }
0x7d: {  	_ =	shalt  }
0x7e: {  	_ =	shalt  }
0x7f: {  	_ =	shalt  }
0x80: {  	_ =	shalt  }
0x81: {  	_ =	shalt  }
0x82: {  	_ =	shalt  }
0x83: {  	_ =	shalt  }
0x84: {  	_ =	shalt  }
0x85: {  	_ =	shalt  }
0x86: {  	_ =	shalt  }
0x87: {  	_ =	shalt  }
.Lfunc_end0:
.L_simem_size_0:
called_computation_lowered:
.L_overlay_start_0:
0x88: {  	s2 =	sld [smem:$0x3FD9]  }
0x89: {  	s3 =	sld [smem:$0x3FFE];
	_ =	sdelay $0x1  }
0x8a: {  	s1 =	srdreg.scid  }
0x8b: {  	s0 =	sand.u32 $0x1, s1  }
0x8c: {  	s17 =	sshll.u32 s0, $0xA;
	s2 =	sadd.s32 s3, s2  }
0x8d: {  	s2 =	sadd.s32 s2, s17  }
0x8e: {  	[smem:$0x3FC5] =	sst s2  }
0x8f: {  	_ = 	snop  }
0x90: {  	s2 =	sld [smem:$0x3FD0];
	(tm) =	ssettm $0x1  }
0x91: {  	s18 =	sld [smem:$0x3FFB];
	_ =	sdelay $0x3  }
0x92: {  	_ =	strace s18  }
0x93: {  	s3 =	sld [smem:$0x3FFC];
	_ =	sdelay $0x3  }
0x94: {  	_ =	strace s3  }
0x95: {  	s3 =	sld [smem:$0x3FFD];
	_ =	sdelay $0x3  }
0x96: {  	_ =	strace s3  }
0x97: {  	_ =	strace $0x8FFFFFFF  }
0x98: {  	s19 =	sld [smem:$0x3FDB];
	_ =	sdelay $0x1  }
0x99: {  	s4 =	simm.s32 $_scs_section_size  }
0x9a: {  	s5 =	simm.s32 $_size__tile_overlayer_lowered;
	s6 =	simm.s32 $_tile_overlayer_lowered  }
0x9b: {  	s22 =	simm.s32 $0x1BFF;
	s21 =	sshll.u32 s6, $0x1;
	s3 =	sadd.s32 s4, s19  }
0x9c: {  	s7 =	simm.s32 $0x0;
	s20 =	sshll.u32 s5, $0x1;
	s5 =	sadd.s32 s21, s3  }
0x9d: {  	[timem:s7], [sflag:s22] =	dma.local [hbm:s5], s20  }
0x9e: {  	_ =	swait.ge [sflag:s22], s20  }
0x9f: {  	s4 =	ssub.s32 $0x0, s20;
	[sflag:s22] =	ssyncset.done $0x0  }
0xa0: {  	[sflag:s22] =	ssyncadd.s32 s4;
	_ =	sdelay $0x1  }
0xa1: {  	s23 =	simm.s32 $0x1B8B  }
0xa2: {  	_ =	swait.ge [sflag:s23], $0x1  }
0xa3: {  	[sflag:s23] =	ssyncset.done $0x0  }
0xa4: {  	s25 =	simm.s32 $0x1B8E;
	s24 =	sld [smem:$0x3FFE];
	[sflag:s23] =	ssyncadd.s32 $0xFFFFFFFF  }
0xa5: {  	s26 =	simm.s32 $execute0_lowered;
	[smem:$0x3FD2] =	sst s25  }
0xa6: {  	s5 =	sshll.u32 s26, $0x1;
	_ =	strace $0x80000046;
	[dreg:$0x1] =	wrdreg $0xFFFFFFFF  }
0xa7: {  	s28 =	simm.s32 $_size_execute0_lowered;
	s3 =	sadd.s32 s3, s5;
	[dreg:$0x0] =	wrdreg $0x0  }
0xa8: {  	s5 =	sshll.u32 s28, $0x1;
	[dreg:$0x2] =	wrdreg s3  }
0xa9: {  	[dreg:$0x3] =	wrdreg s5  }
0xaa: {  	[dreg:$0x4] =	wrdreg $0xC0  }
0xab: {  	_ =	task [dreg:s7], $0x5FFFF  }
0xac: {  	[dreg:$0x1] =	wrdreg $0xFFFFFFFF  }
0xad: {  	[dreg:$0x0] =	wrdreg $0x60  }
0xae: {  	[dreg:$0x2] =	wrdreg s24  }
0xaf: {  	[dreg:$0x3] =	wrdreg s2  }
0xb0: {  	[dreg:$0x4] =	wrdreg $0x164000  }
0xb1: {  	[dreg:$0x5] =	wrdreg $0x9  }
0xb2: {  	_ =	task.clear_ibuf [dreg:s7], $0x6FFFF;
	_ =	strace $0x90000046  }
0xb3: {  	s29 =	simm.s32 $0x9;
	_ =	strace $0x80000048  }
0xb4: {  	_ =	swait.ge [sflag:s29], $0x1  }
0xb5: {  	[sflag:s29] =	ssyncadd.s32 $0xFFFFFFFF  }
0xb6: {  	_ =	strace $0x90000048  }
0xb7: {  	_ =	sfence  }
0xb8: {  	s30 =	sld [smem:$0x0];
	_ =	sdelay $0x2  }
0xb9: {  	s31 =	sshll.u32 s1, $0xD;
	s1 =	sshrl.u32 s1, $0x2  }
0xba: {  	s3 =	sand.u32 $0x4000, s31;
	s1 =	sadd.s32 s1, s30  }
0xbb: {  	s0 =	sor.u32 s3, s0;
	s1 =	sshll.u32 s1, $0x11  }
0xbc: {  	s0 =	sor.u32 s1, s0  }
0xbd: {  	s0 =	sadd.s32 $0x8F2B, s0  }
0xbe: {  	[sflag:s0] =	ssyncadd.remote.s32 $0x1  }
0xbf: {  	_ =	sfence.sel $0xFFFF  }
0xc0: {  	[dreg:$0x0] =	wrdreg $0xFFFFFFFF;
	(pc) =	sbr.abs _section_cstart, $3  }
0xc1: {  	[dreg:$0x1] =	wrdreg $0xFFFFFFFF  }
0xc2: {  	_ =	task.clear_ibuf [dreg:s7], $0x2FFFF;
	_ =	strace $0x9FFFFFFF  }
0xc3: {  	(tm) =	ssettm $0x7FFFFFFF  }
tec
execute0_lowered:
.L_overlay_start_1:
0x0: {  	(tag) =	ssettag $0x1  }
0x1: {  	s4 =	rddreg [dreg:$0x0]  }
0x2: {  	s9 =	rddreg [dreg:$0x1]  }
0x3: {  	s1 =	rddreg [dreg:$0x2]  }
0x4: {  	s0 =	rddreg [dreg:$0x3]  }
0x5: {  	s3 =	srdreg.scid;
	s8 =	stileid.u32;
	s2 =	simm.s32 $0x0  }
0x6: {  	s15 =	simm.s32 $0x100;
	s16 =	simm.s32 $0xE400;
	s17 =	simm.s32 $0x180  }
0x7: {  	s18 =	simm.s32 $0x12400;
	s19 =	simm.s32 $0x1;
	s20 =	simm.s32 $0x2  }
0x8: {  	s21 =	simm.s32 $0x3;
	s22 =	simm.s32 $0x4;
	s23 =	simm.s32 $0x5  }
0x9: {  	s24 =	simm.s32 $0x6;
	s25 =	simm.s32 $0x0;
	s11 =	smul.u32 $0xC8000, s8  }
0xa: {  	s7 =	sand.u32 $0x1, s3;
	s26 =	sshll.u32 s8, $0x1;
	s12 =	smul.u32 $0x640000, s8  }
0xb: {  	[smem:$0x7FF] =	sst s2;
	s3 =	sadd.s32 $0x19600, s4;
	s13 =	smul.u32 $0x320000, s7  }
0xc: {  	p0 =	sne.s32 s8, $0x0;
	s5 =	sor.u32 s7, s26;
	s14 =	smul.u32 $0x64000, s7  }
0xd: {  	_ =	strace $0x80000047;
	s10 =	ssub.s32 $0x2, s7;
	s6 =	smul.u32 $0xC80, s5  }
0xe: {  	s5 =	smul.u32 $0x320000, s5;
	s28 =	sshrl.u32 s10, $0x1;
	s30 =	sadd.s32 s11, s9  }
0xf: {  	s10 =	ssub.s32 s10, s28;
	s31 =	sadd.s32 s13, s12;
	s12 =	simm.s32 $0x80  }
0x10: {  	s13 =	simm.s32 $0x6400;
	s4 =	sadd.s32 s6, s4;
	s5 =	sshrl.u32 s5, $0x3  }
0x11: {  	s7 =	smax.u32 s10, $0x1;
	s10 =	sadd.s32 s14, s30;
	s11 =	sshrl.u32 s31, $0x3  }
0x12: {  	s14 =	simm.s32 $0xA400;
	s4 =	sadd.s32 $0x600, s4;
	s29 =	sadd.s32 s9, s5  }
0x13: {  	s8 =	sadd.s32 $0x1000, s10;
	s9 =	sadd.s32 s11, s9;
	s10 =	sshrl.u32 @!p0 s1, $0x3  }
0x14: {  	s11 =	simm.s32 $0x7;
	s5 =	sadd.s32 $0x62000, s29;
	s6 =	sadd.s32 $0x63000, s29  }
.LBB2_1:
0x15: {  	s26 =	simm.s32 @!p0 $0x1C07  }
0x16: {  	[spmem:s10], [sflag:s26] =	dma.local @!p0 [hbm:s3], $0x4000  }
0x17: {  	s26 =	simm.s32 @!p0 $0x7  }
0x18: {  	_ =	swait.ge @!p0 [sflag:s26], $0x4000  }
0x19: {  	[sflag:s26] =	ssyncset.done @!p0 $0x0  }
0x1a: {  	[sflag:s26] =	ssyncadd.s32 @!p0 $0xFFFFC000  }
0x1b: {  	[tilespmem:s2], [sflag:$0x7] =	stream.linear.gather [hbm4b:s4+s2], $0x6400, $0x38;
	[tilespmem:$0x18400] =	vst v63  }
0x1c: {  	_ =	swait.ge [sflag:s11], $0x6400  }
0x1d: {  	[sflag:s11] =	ssyncset.done $0x0  }
0x1e: {  	[sflag:s11] =	ssyncadd.s32 $0xFFFF9C00  }
0x1f: {  	[bflag:$0x0] =	sbarrier.arrive $0xFFFF  }
0x20: {  	[tilespmem:s13], [sflag:$0x1] =	stream.indirect.gather [spmem:s1], $0x80, s2, s12, $0xb8;
	[tilespmem:$0x18400] =	vst v63  }
0x21: {  	_ = 	snop  }
0x22: {  	[tilespmem:s14], [sflag:$0x2] =	stream.indirect.gather [spmem:s1], $0x80, s12, s12, $0xb8;
	[tilespmem:$0x18400] =	vst v63  }
0x23: {  	_ = 	snop  }
0x24: {  	[tilespmem:s16], [sflag:$0x3] =	stream.indirect.gather [spmem:s1], $0x80, s15, s12, $0xb8;
	[tilespmem:$0x18400] =	vst v63  }
0x25: {  	_ = 	snop  }
0x26: {  	[tilespmem:s18], [sflag:$0x4] =	stream.indirect.gather [spmem:s1], $0x80, s17, s12, $0xb8;
	[tilespmem:$0x18400] =	vst v63  }
0x27: {  	_ =	swait.ge [sflag:s19], $0x4000  }
0x28: {  	[sflag:s19] =	ssyncset.done $0x0  }
0x29: {  	[sflag:s19] =	ssyncadd.s32 $0xFFFFC000  }
0x2a: {  	_ =	swait.ge [sflag:s20], $0x4000  }
0x2b: {  	[sflag:s20] =	ssyncset.done $0x0  }
0x2c: {  	[sflag:s20] =	ssyncadd.s32 $0xFFFFC000  }
0x2d: {  	[hbm4b:s9+s2] =	stream.linear.scatter [tilespmem:s13], [sflag:$0x5], $0x8000, $0x38;
	[tilespmem:$0x18400] =	vst v63  }
0x2e: {  	_ =	swait.ge [sflag:s21], $0x4000  }
0x2f: {  	[sflag:s21] =	ssyncset.done $0x0  }
0x30: {  	[sflag:s21] =	ssyncadd.s32 $0xFFFFC000  }
0x31: {  	_ =	swait.ge [sflag:s22], $0x4000  }
0x32: {  	[sflag:s22] =	ssyncset.done $0x0  }
0x33: {  	[sflag:s22] =	ssyncadd.s32 $0xFFFFC000  }
0x34: {  	[hbm4b:s8+s2] =	stream.linear.scatter [tilespmem:s16], [sflag:$0x6], $0x8000, $0x38;
	[tilespmem:$0x18400] =	vst v63  }
0x35: {  	_ =	swait.ge [sflag:s23], $0x8000  }
0x36: {  	[sflag:s23] =	ssyncset.done $0x0  }
0x37: {  	s31 =	simm.s32 $0x200;
	[sflag:s23] =	ssyncadd.s32 $0xFFFF8000  }
0x38: {  	[tilespmem:s13], [sflag:$0x1] =	stream.indirect.gather [spmem:s1], $0x80, s31, s12, $0xb8;
	[tilespmem:$0x18400] =	vst v63  }
0x39: {  	s31 =	simm.s32 $0x280  }
0x3a: {  	[tilespmem:s14], [sflag:$0x2] =	stream.indirect.gather [spmem:s1], $0x80, s31, s12, $0xb8;
	[tilespmem:$0x18400] =	vst v63  }
0x3b: {  	s30 =	simm.s32 $0x380;
	_ =	swait.ge [sflag:s24], $0x8000  }
0x3c: {  	s28 =	sadd.s32 $0x2000, s8;
	s29 =	sadd.s32 $0x2000, s9;
	[sflag:s24] =	ssyncset.done $0x0  }
0x3d: {  	s26 =	simm.s32 $0x800;
	s31 =	simm.s32 $0x300;
	[sflag:s24] =	ssyncadd.s32 $0xFFFF8000  }
0x3e: {  	[tilespmem:s16], [sflag:$0x3] =	stream.indirect.gather [spmem:s1], $0x80, s31, s12, $0xb8;
	[tilespmem:$0x18400] =	vst v63  }
.LBB2_2:
0x3f: {  	[tilespmem:s18], [sflag:$0x4] =	stream.indirect.gather [spmem:s1], $0x80, s30, s12, $0xb8;
	[tilespmem:$0x18400] =	vst v63  }
0x40: {  	s30 =	smov.u32 s26  }
0x41: {  	p1 =	sne.s32 s26, $0x18000;
	s26 =	sadd.s32 $0x800, s26;
	_ =	swait.ge [sflag:s19], $0x4000  }
0x42: {  	[sflag:s19] =	ssyncset.done $0x0  }
0x43: {  	[sflag:s19] =	ssyncadd.s32 $0xFFFFC000  }
0x44: {  	_ =	swait.ge [sflag:s20], $0x4000  }
0x45: {  	[sflag:s20] =	ssyncset.done $0x0  }
0x46: {  	[sflag:s20] =	ssyncadd.s32 $0xFFFFC000  }
0x47: {  	[hbm4b:s29+s2] =	stream.linear.scatter [tilespmem:s13], [sflag:$0x5], $0x8000, $0x38;
	[tilespmem:$0x18400] =	vst v63  }
0x48: {  	_ =	swait.ge [sflag:s21], $0x4000  }
0x49: {  	[sflag:s21] =	ssyncset.done $0x0  }
0x4a: {  	[sflag:s21] =	ssyncadd.s32 $0xFFFFC000  }
0x4b: {  	_ =	swait.ge [sflag:s22], $0x4000  }
0x4c: {  	[sflag:s22] =	ssyncset.done $0x0  }
0x4d: {  	[sflag:s22] =	ssyncadd.s32 $0xFFFFC000  }
0x4e: {  	[hbm4b:s28+s2] =	stream.linear.scatter [tilespmem:s16], [sflag:$0x6], $0x8000, $0x38;
	[tilespmem:$0x18400] =	vst v63  }
0x4f: {  	_ =	swait.ge [sflag:s23], $0x8000  }
0x50: {  	s30 =	sshra.s32 s30, $0x2;
	[sflag:s23] =	ssyncset.done $0x0  }
0x51: {  	s31 =	sadd.s32 $0x200, s30;
	[sflag:s23] =	ssyncadd.s32 $0xFFFF8000  }
0x52: {  	[tilespmem:s13], [sflag:$0x1] =	stream.indirect.gather [spmem:s1], $0x80, s31, s12, $0xb8;
	[tilespmem:$0x18400] =	vst v63  }
0x53: {  	s31 =	sadd.s32 $0x280, s30  }
0x54: {  	[tilespmem:s14], [sflag:$0x2] =	stream.indirect.gather [spmem:s1], $0x80, s31, s12, $0xb8;
	[tilespmem:$0x18400] =	vst v63  }
.Ltmp0:
0x55: {  	_ =	swait.ge [sflag:s24], $0x8000;
	(pc) =	sbr.rel @p1 .LBB2_2-.Ltmp0, $4  }
0x56: {  	[sflag:s24] =	ssyncset.done $0x0  }
0x57: {  	s31 =	sadd.s32 $0x300, s30;
	[sflag:s24] =	ssyncadd.s32 $0xFFFF8000  }
0x58: {  	[tilespmem:s16], [sflag:$0x3] =	stream.indirect.gather [spmem:s1], $0x80, s31, s12, $0xb8;
	[tilespmem:$0x18400] =	vst v63  }
0x59: {  	s29 =	sadd.s32 $0x2000, s29;
	s28 =	sadd.s32 $0x2000, s28;
	s30 =	sadd.s32 $0x380, s30  }
0x5a: {  	[tilespmem:s18], [sflag:$0x4] =	stream.indirect.gather [spmem:s1], $0x80, s30, s12, $0xb8;
	[tilespmem:$0x18400] =	vst v63  }
0x5b: {  	_ =	swait.ge [sflag:s19], $0x4000  }
0x5c: {  	[sflag:s19] =	ssyncset.done $0x0  }
0x5d: {  	[sflag:s19] =	ssyncadd.s32 $0xFFFFC000  }
0x5e: {  	_ =	swait.ge [sflag:s20], $0x4000  }
0x5f: {  	[sflag:s20] =	ssyncset.done $0x0  }
0x60: {  	[sflag:s20] =	ssyncadd.s32 $0xFFFFC000  }
0x61: {  	[hbm4b:s5+s2] =	stream.linear.scatter [tilespmem:s13], [sflag:$0x5], $0x8000, $0x38;
	[tilespmem:$0x18400] =	vst v63  }
0x62: {  	_ =	swait.ge [sflag:s21], $0x4000  }
0x63: {  	[sflag:s21] =	ssyncset.done $0x0  }
0x64: {  	[sflag:s21] =	ssyncadd.s32 $0xFFFFC000  }
0x65: {  	_ =	swait.ge [sflag:s22], $0x4000  }
0x66: {  	[sflag:s22] =	ssyncset.done $0x0  }
0x67: {  	s25 =	sadd.s32 $0x1, s25;
	[sflag:s22] =	ssyncadd.s32 $0xFFFFC000  }
0x68: {  	[hbm4b:s6+s2] =	stream.linear.scatter [tilespmem:s16], [sflag:$0x6], $0x8000, $0x38;
	[tilespmem:$0x18400] =	vst v63  }
0x69: {  	p1 =	sne.s32 s25, s7;
	_ =	swait.ge [sflag:s23], $0x8000  }
.Ltmp1:
0x6a: {  	[sflag:s23] =	ssyncset.done $0x0;
	(pc) =	sbr.rel @p1 .LBB2_1-.Ltmp1, $4  }
0x6b: {  	[sflag:s23] =	ssyncadd.s32 $0xFFFF8000  }
0x6c: {  	_ =	swait.ge [sflag:s24], $0x8000  }
0x6d: {  	[sflag:s24] =	ssyncset.done $0x0  }
0x6e: {  	[sflag:s24] =	ssyncadd.s32 $0xFFFF8000  }
0x6f: {  	_ =	sfence.sel $0x180000  }
0x70: {  	[bflag:$0x0] =	sbarrier.arrive $0xFFFF  }
0x71: {  	_ =	strace $0x90000047  }
0x72: {  	s0 =	sadd.s32 @!p0 $0x100000, s0;
	[bflag:$0x2] =	sbarrier.arrive $0xFFFF  }
0x73: {  	[sflag:s0] =	ssyncadd.tile.s32 @!p0 $0x1;
	_ =	shalt  }
.Lfunc_end2:
_tile_overlayer_lowered:
.L_overlay_start_2:
0x74: {  	(tag) =	ssettag $0x2  }
0x75: {  	s0 =	rddreg [dreg:$0x0];
	s2 =	stileid.u32  }
0x76: {  	s1 =	rddreg [dreg:$0x1];
	p0 =	sne.s32 s2, $0x0  }
0x77: {  	s3 =	rddreg [dreg:$0x2];
	[bflag:$0x3] =	sbarrier.arrive $0xFFFF;
	s2 =	simm.s32 @!p0 $0x1C07  }
0x78: {  	[timem:s3], [sflag:s2] =	dma.local @!p0 [hbm:s0], s1  }
0x79: {  	s0 =	simm.s32 @!p0 $0x7  }
0x7a: {  	_ =	swait.ge @!p0 [sflag:s0], s1  }
0x7b: {  	s1 =	ssub.s32 @!p0 $0x0, s1;
	[sflag:s0] =	ssyncset.done @!p0 $0x0  }
0x7c: {  	[sflag:s0] =	ssyncadd.s32 @!p0 s1  }
0x7d: {  	[bflag:$0x3] =	sbarrier.arrive $0xFFFF  }
0x7e: {  	_ =	shalt  }

</sc_bundles>
